<compile_context>
chip_gen: v7x
topology: tpu7x:2x2x1
jax: 0.10.2.dev20260603
libtpu: 0.0.44.dev20260713+nightly
codegen_flags: <defaults>
</compile_context>

<pallas_src>
import functools

import jax
import jax.numpy as jnp
from jax import lax
from jax.experimental import pallas as pl
from jax.experimental.pallas import tpu as pltpu
from jax.experimental.pallas import tpu_sc as plsc

EMB_D = 128
BATCH = 16384
NUM_CORES = 2
NUM_SUBCORES = 16
NUM_WORKERS = NUM_CORES * NUM_SUBCORES
B_PER_W = BATCH // NUM_WORKERS
NSTAGE = 4
CHUNK = B_PER_W // NSTAGE


def _build():
    mesh = plsc.VectorSubcoreMesh(core_axis_name="c", subcore_axis_name="s")

    @functools.partial(
        pl.kernel,
        mesh=mesh,
        out_type=jax.ShapeDtypeStruct((BATCH, EMB_D), jnp.float32),
        scratch_types=(
            [pltpu.VMEM((CHUNK,), jnp.int32) for _ in range(NSTAGE)]
            + [
                pltpu.VMEM((NSTAGE, CHUNK, EMB_D), jnp.float32),
                pltpu.VMEM_SHARED((3, EMB_D), jnp.float32),
                pltpu.SemaphoreType.DMA,
                pltpu.SemaphoreType.DMA,
                pltpu.SemaphoreType.DMA,
            ]
        ),
    )
    def lookup_kernel(labels_hbm, table_hbm, out_hbm, *rest):
        idx = rest[:NSTAGE]
        rows_v, tab_sh, sem_in, sem_g, sem_out = rest[NSTAGE:]
        sid = lax.axis_index("s")
        wid = sid * NUM_CORES + lax.axis_index("c")
        base = wid * B_PER_W
        cp_labs = [
            pltpu.async_copy(
                labels_hbm.at[pl.ds(base + k * CHUNK, CHUNK)], idx[k], sem_in)
            for k in range(NSTAGE)
        ]

        @pl.when(sid == 0)
        def _():
            pltpu.sync_copy(table_hbm, tab_sh)

        for cp in cp_labs:
            cp.wait()
        plsc.subcore_barrier()
        gs = [
            pltpu.async_copy(tab_sh.at[idx[k]], rows_v.at[k], sem_g)
            for k in range(NSTAGE)
        ]
        outs = []
        for k in range(NSTAGE):
            gs[k].wait()
            outs.append(pltpu.async_copy(
                rows_v.at[k],
                out_hbm.at[pl.ds(base + k * CHUNK, CHUNK)], sem_out))
        for cp in outs:
            cp.wait()

    return lookup_kernel


_lookup = _build()


def kernel(labels, table):
    out = _lookup(labels, table)
    return out.reshape(BATCH, 1, EMB_D)

# --- scband reference (transcript-rebuilt; emitter-appended) ---
"""Pipeline reference for scband-advantage-embedding-48120813584736 (READ-ONLY COPY).

The authoritative reference and input builder live on the scoring server;
editing this copy changes nothing except your own understanding.
"""

import jax, jax.numpy as jnp
import numpy as np

EMBEDDING_DIM = 128
BATCH = 16384

def setup_inputs(seed: int = 0) -> dict:
    key = jax.random.key(seed)
    k1, k2 = jax.random.split(key)
    labels = jax.random.randint(k1, (BATCH,), 0, 3, dtype=jnp.int64 if jax.config.read('jax_enable_x64') else jnp.int32).astype(jnp.int32)
    table = jax.random.normal(k2, (3, EMBEDDING_DIM), dtype=jnp.float32) * 0.02
    return {"labels": labels, "table": table}

def reference(labels, table):
    # nn.Embedding lookup: gather rows of table by labels, then unsqueeze(1)
    emb = jnp.take(table, labels, axis=0)  # (B, D)
    return emb[:, None, :]  # (B, 1, D)

if __name__ == "__main__":
    import jax
    _d = setup_inputs()
    print(jax.jit(kernel)(*tuple(_d.values())))

</pallas_src>

<mosaic_0001>
#map = affine_map<(d0, d1) -> (0)>
#map1 = affine_map<(d0, d1) -> (0, 0)>
module attributes {stable_mosaic.version = 14 : i64} {
  func.func @lookup_kernel(%arg0: i32, %arg1: i32, %arg2: memref<16384xi32, #tpu.memory_space<hbm>>, %arg3: memref<3x128xf32, #tpu.memory_space<hbm>>, %arg4: memref<16384x128xf32, #tpu.memory_space<hbm>>, %arg5: memref<128xi32, #tpu.memory_space<vmem>>, %arg6: memref<128xi32, #tpu.memory_space<vmem>>, %arg7: memref<128xi32, #tpu.memory_space<vmem>>, %arg8: memref<128xi32, #tpu.memory_space<vmem>>, %arg9: memref<4x128x128xf32, #tpu.memory_space<vmem>>, %arg10: memref<3x128xf32, #tpu.memory_space<vmem_shared>>, %arg11: memref<!tpu.dma_semaphore, #tpu.memory_space<semaphore_mem>>, %arg12: memref<!tpu.dma_semaphore, #tpu.memory_space<semaphore_mem>>, %arg13: memref<!tpu.dma_semaphore, #tpu.memory_space<semaphore_mem>>) attributes {dimension_semantics = [#tpu.dimension_semantics<core_parallel>, #tpu.dimension_semantics<subcore_parallel>], iteration_bounds = array<i64: 2, 16>, scalar_prefetch = 0 : i64, scratch_operands = 9 : i64, tpu.core_type = #tpu.core_type<sc_vector_subcore>, window_params = [{transform_indices = #map}, {transform_indices = #map1}, {transform_indices = #map1}]} {
    %mul3A = arith.constant 2 : i32
    %mul3A_0 = arith.muli %arg1, %mul3A : i32
    %add3A = arith.addi %mul3A_0, %arg0 : i32
    %mul3A_1 = arith.constant 512 : i32
    %mul3A_2 = arith.muli %add3A, %mul3A_1 : i32
    %add3A_3 = arith.constant 0 : i32
    %add3A_4 = arith.addi %mul3A_2, %add3A_3 : i32
    %dma_start3A = tpu.memref_slice %arg2[%add3A_4] : memref<16384xi32, #tpu.memory_space<hbm>> -> memref<128xi32, #tpu.memory_space<hbm>>
    %dma_start3A_5 = tpu.memref_slice %arg2[%add3A_4] : memref<16384xi32, #tpu.memory_space<hbm>> -> memref<128xi32, #tpu.memory_space<hbm>>
    tpu.enqueue_dma source(%dma_start3A_5 : memref<128xi32, #tpu.memory_space<hbm>>) target(%arg5 : memref<128xi32, #tpu.memory_space<vmem>>) target_semaphore(%arg11 : memref<!tpu.dma_semaphore, #tpu.memory_space<semaphore_mem>>)
    %add3A_6 = arith.constant 128 : i32
    %add3A_7 = arith.addi %mul3A_2, %add3A_6 : i32
    %dma_start3A_8 = tpu.memref_slice %arg2[%add3A_7] : memref<16384xi32, #tpu.memory_space<hbm>> -> memref<128xi32, #tpu.memory_space<hbm>>
    %dma_start3A_9 = tpu.memref_slice %arg2[%add3A_7] : memref<16384xi32, #tpu.memory_space<hbm>> -> memref<128xi32, #tpu.memory_space<hbm>>
    tpu.enqueue_dma source(%dma_start3A_9 : memref<128xi32, #tpu.memory_space<hbm>>) target(%arg6 : memref<128xi32, #tpu.memory_space<vmem>>) target_semaphore(%arg11 : memref<!tpu.dma_semaphore, #tpu.memory_space<semaphore_mem>>)
    %add3A_10 = arith.constant 256 : i32
    %add3A_11 = arith.addi %mul3A_2, %add3A_10 : i32
    %dma_start3A_12 = tpu.memref_slice %arg2[%add3A_11] : memref<16384xi32, #tpu.memory_space<hbm>> -> memref<128xi32, #tpu.memory_space<hbm>>
    %dma_start3A_13 = tpu.memref_slice %arg2[%add3A_11] : memref<16384xi32, #tpu.memory_space<hbm>> -> memref<128xi32, #tpu.memory_space<hbm>>
    tpu.enqueue_dma source(%dma_start3A_13 : memref<128xi32, #tpu.memory_space<hbm>>) target(%arg7 : memref<128xi32, #tpu.memory_space<vmem>>) target_semaphore(%arg11 : memref<!tpu.dma_semaphore, #tpu.memory_space<semaphore_mem>>)
    %add3A_14 = arith.constant 384 : i32
    %add3A_15 = arith.addi %mul3A_2, %add3A_14 : i32
    %dma_start3A_16 = tpu.memref_slice %arg2[%add3A_15] : memref<16384xi32, #tpu.memory_space<hbm>> -> memref<128xi32, #tpu.memory_space<hbm>>
    %dma_start3A_17 = tpu.memref_slice %arg2[%add3A_15] : memref<16384xi32, #tpu.memory_space<hbm>> -> memref<128xi32, #tpu.memory_space<hbm>>
    tpu.enqueue_dma source(%dma_start3A_17 : memref<128xi32, #tpu.memory_space<hbm>>) target(%arg8 : memref<128xi32, #tpu.memory_space<vmem>>) target_semaphore(%arg11 : memref<!tpu.dma_semaphore, #tpu.memory_space<semaphore_mem>>)
    %eq3A = arith.constant 0 : i32
    %eq3A_18 = arith.cmpi eq, %arg1, %eq3A : i32
    %convert_element_type3A = arith.extui %eq3A_18 : i1 to i32
    %cond3A = arith.constant 0 : i32
    %cond3A_19 = arith.cmpi ne, %convert_element_type3A, %cond3A : i32
    scf.if %cond3A_19 {
      "tpu.region"() ({
        %run_scoped3A = tpu.sem_alloc : memref<!tpu.dma_semaphore, #tpu.memory_space<semaphore_mem>>
        tpu.enqueue_dma source(%arg3 : memref<3x128xf32, #tpu.memory_space<hbm>>) target(%arg10 : memref<3x128xf32, #tpu.memory_space<vmem_shared>>) target_semaphore(%run_scoped3A : memref<!tpu.dma_semaphore, #tpu.memory_space<semaphore_mem>>)
        tpu.wait_dma2 semaphore(%run_scoped3A : memref<!tpu.dma_semaphore, #tpu.memory_space<semaphore_mem>>) src(%arg3 : memref<3x128xf32, #tpu.memory_space<hbm>>) dst(%arg10 : memref<3x128xf32, #tpu.memory_space<vmem_shared>>)
        tpu.yield
      }) : () -> ()
    } else {
    }
    %dma_wait3A = tpu.memref_slice %arg2[%add3A_4] : memref<16384xi32, #tpu.memory_space<hbm>> -> memref<128xi32, #tpu.memory_space<hbm>>
    %dma_wait3A_20 = tpu.memref_slice %arg2[%add3A_4] : memref<16384xi32, #tpu.memory_space<hbm>> -> memref<128xi32, #tpu.memory_space<hbm>>
    tpu.wait_dma2 semaphore(%arg11 : memref<!tpu.dma_semaphore, #tpu.memory_space<semaphore_mem>>) src(%dma_wait3A_20 : memref<128xi32, #tpu.memory_space<hbm>>) dst(%arg5 : memref<128xi32, #tpu.memory_space<vmem>>)
    %dma_wait3A_21 = tpu.memref_slice %arg2[%add3A_7] : memref<16384xi32, #tpu.memory_space<hbm>> -> memref<128xi32, #tpu.memory_space<hbm>>
    %dma_wait3A_22 = tpu.memref_slice %arg2[%add3A_7] : memref<16384xi32, #tpu.memory_space<hbm>> -> memref<128xi32, #tpu.memory_space<hbm>>
    tpu.wait_dma2 semaphore(%arg11 : memref<!tpu.dma_semaphore, #tpu.memory_space<semaphore_mem>>) src(%dma_wait3A_22 : memref<128xi32, #tpu.memory_space<hbm>>) dst(%arg6 : memref<128xi32, #tpu.memory_space<vmem>>)
    %dma_wait3A_23 = tpu.memref_slice %arg2[%add3A_11] : memref<16384xi32, #tpu.memory_space<hbm>> -> memref<128xi32, #tpu.memory_space<hbm>>
    %dma_wait3A_24 = tpu.memref_slice %arg2[%add3A_11] : memref<16384xi32, #tpu.memory_space<hbm>> -> memref<128xi32, #tpu.memory_space<hbm>>
    tpu.wait_dma2 semaphore(%arg11 : memref<!tpu.dma_semaphore, #tpu.memory_space<semaphore_mem>>) src(%dma_wait3A_24 : memref<128xi32, #tpu.memory_space<hbm>>) dst(%arg7 : memref<128xi32, #tpu.memory_space<vmem>>)
    %dma_wait3A_25 = tpu.memref_slice %arg2[%add3A_15] : memref<16384xi32, #tpu.memory_space<hbm>> -> memref<128xi32, #tpu.memory_space<hbm>>
    %dma_wait3A_26 = tpu.memref_slice %arg2[%add3A_15] : memref<16384xi32, #tpu.memory_space<hbm>> -> memref<128xi32, #tpu.memory_space<hbm>>
    tpu.wait_dma2 semaphore(%arg11 : memref<!tpu.dma_semaphore, #tpu.memory_space<semaphore_mem>>) src(%dma_wait3A_26 : memref<128xi32, #tpu.memory_space<hbm>>) dst(%arg8 : memref<128xi32, #tpu.memory_space<vmem>>)
    %barrier3A = arith.constant 0 : index
    tpu.barrier barrier_id(%barrier3A)
    %dma_start3A_27 = arith.constant 0 : i32
    %dma_start3A_28 = arith.constant 0 : i32
    %dma_start3A_29 = arith.constant 0 : i32
    %dma_start3A_30 = tpu.memref_slice %arg9[%dma_start3A_27, %dma_start3A_28, %dma_start3A_29] : memref<4x128x128xf32, #tpu.memory_space<vmem>> -> memref<1x128x128xf32, #tpu.memory_space<vmem>>
    %dma_start3A_31 = tpu.memref_squeeze %dma_start3A_30 : memref<1x128x128xf32, #tpu.memory_space<vmem>> -> memref<128x128xf32, #tpu.memory_space<vmem>>
    %dma_start3A_32 = arith.constant 0 : i32
    %dma_start3A_33 = arith.constant 0 : i32
    %dma_start3A_34 = tpu.memref_slice %arg10[%dma_start3A_32, %dma_start3A_33] : memref<3x128xf32, #tpu.memory_space<vmem_shared>> -> memref<3x128xf32, #tpu.memory_space<vmem_shared>>
    tpu.enqueue_indirect_dma source(%dma_start3A_34 : memref<3x128xf32, #tpu.memory_space<vmem_shared>>) target(%dma_start3A_31 : memref<128x128xf32, #tpu.memory_space<vmem>>) offsets(%arg5 : memref<128xi32, #tpu.memory_space<vmem>>) semaphore(%arg12 : memref<!tpu.dma_semaphore, #tpu.memory_space<semaphore_mem>>)
    %dma_start3A_35 = arith.constant 1 : i32
    %dma_start3A_36 = arith.constant 0 : i32
    %dma_start3A_37 = arith.constant 0 : i32
    %dma_start3A_38 = tpu.memref_slice %arg9[%dma_start3A_35, %dma_start3A_36, %dma_start3A_37] : memref<4x128x128xf32, #tpu.memory_space<vmem>> -> memref<1x128x128xf32, #tpu.memory_space<vmem>>
    %dma_start3A_39 = tpu.memref_squeeze %dma_start3A_38 : memref<1x128x128xf32, #tpu.memory_space<vmem>> -> memref<128x128xf32, #tpu.memory_space<vmem>>
    %dma_start3A_40 = arith.constant 0 : i32
    %dma_start3A_41 = arith.constant 0 : i32
    %dma_start3A_42 = tpu.memref_slice %arg10[%dma_start3A_40, %dma_start3A_41] : memref<3x128xf32, #tpu.memory_space<vmem_shared>> -> memref<3x128xf32, #tpu.memory_space<vmem_shared>>
    tpu.enqueue_indirect_dma source(%dma_start3A_42 : memref<3x128xf32, #tpu.memory_space<vmem_shared>>) target(%dma_start3A_39 : memref<128x128xf32, #tpu.memory_space<vmem>>) offsets(%arg6 : memref<128xi32, #tpu.memory_space<vmem>>) semaphore(%arg12 : memref<!tpu.dma_semaphore, #tpu.memory_space<semaphore_mem>>)
    %dma_start3A_43 = arith.constant 2 : i32
    %dma_start3A_44 = arith.constant 0 : i32
    %dma_start3A_45 = arith.constant 0 : i32
    %dma_start3A_46 = tpu.memref_slice %arg9[%dma_start3A_43, %dma_start3A_44, %dma_start3A_45] : memref<4x128x128xf32, #tpu.memory_space<vmem>> -> memref<1x128x128xf32, #tpu.memory_space<vmem>>
    %dma_start3A_47 = tpu.memref_squeeze %dma_start3A_46 : memref<1x128x128xf32, #tpu.memory_space<vmem>> -> memref<128x128xf32, #tpu.memory_space<vmem>>
    %dma_start3A_48 = arith.constant 0 : i32
    %dma_start3A_49 = arith.constant 0 : i32
    %dma_start3A_50 = tpu.memref_slice %arg10[%dma_start3A_48, %dma_start3A_49] : memref<3x128xf32, #tpu.memory_space<vmem_shared>> -> memref<3x128xf32, #tpu.memory_space<vmem_shared>>
    tpu.enqueue_indirect_dma source(%dma_start3A_50 : memref<3x128xf32, #tpu.memory_space<vmem_shared>>) target(%dma_start3A_47 : memref<128x128xf32, #tpu.memory_space<vmem>>) offsets(%arg7 : memref<128xi32, #tpu.memory_space<vmem>>) semaphore(%arg12 : memref<!tpu.dma_semaphore, #tpu.memory_space<semaphore_mem>>)
    %dma_start3A_51 = arith.constant 3 : i32
    %dma_start3A_52 = arith.constant 0 : i32
    %dma_start3A_53 = arith.constant 0 : i32
    %dma_start3A_54 = tpu.memref_slice %arg9[%dma_start3A_51, %dma_start3A_52, %dma_start3A_53] : memref<4x128x128xf32, #tpu.memory_space<vmem>> -> memref<1x128x128xf32, #tpu.memory_space<vmem>>
    %dma_start3A_55 = tpu.memref_squeeze %dma_start3A_54 : memref<1x128x128xf32, #tpu.memory_space<vmem>> -> memref<128x128xf32, #tpu.memory_space<vmem>>
    %dma_start3A_56 = arith.constant 0 : i32
    %dma_start3A_57 = arith.constant 0 : i32
    %dma_start3A_58 = tpu.memref_slice %arg10[%dma_start3A_56, %dma_start3A_57] : memref<3x128xf32, #tpu.memory_space<vmem_shared>> -> memref<3x128xf32, #tpu.memory_space<vmem_shared>>
    tpu.enqueue_indirect_dma source(%dma_start3A_58 : memref<3x128xf32, #tpu.memory_space<vmem_shared>>) target(%dma_start3A_55 : memref<128x128xf32, #tpu.memory_space<vmem>>) offsets(%arg8 : memref<128xi32, #tpu.memory_space<vmem>>) semaphore(%arg12 : memref<!tpu.dma_semaphore, #tpu.memory_space<semaphore_mem>>)
    %dma_wait3A_59 = arith.constant 0 : i32
    %dma_wait3A_60 = arith.constant 0 : i32
    %dma_wait3A_61 = arith.constant 0 : i32
    %dma_wait3A_62 = tpu.memref_slice %arg9[%dma_wait3A_59, %dma_wait3A_60, %dma_wait3A_61] : memref<4x128x128xf32, #tpu.memory_space<vmem>> -> memref<1x128x128xf32, #tpu.memory_space<vmem>>
    %dma_wait3A_63 = tpu.memref_squeeze %dma_wait3A_62 : memref<1x128x128xf32, #tpu.memory_space<vmem>> -> memref<128x128xf32, #tpu.memory_space<vmem>>
    %dma_wait3A_64 = arith.constant 0 : i32
    %dma_wait3A_65 = arith.constant 0 : i32
    %dma_wait3A_66 = tpu.memref_slice %arg10[%dma_wait3A_64, %dma_wait3A_65] : memref<3x128xf32, #tpu.memory_space<vmem_shared>> -> memref<3x128xf32, #tpu.memory_space<vmem_shared>>
    tpu.wait_indirect_dma semaphore(%arg12 : memref<!tpu.dma_semaphore, #tpu.memory_space<semaphore_mem>>) src(%dma_wait3A_66 : memref<3x128xf32, #tpu.memory_space<vmem_shared>>) dst(%dma_wait3A_63 : memref<128x128xf32, #tpu.memory_space<vmem>>)
    %add3A_67 = arith.constant 0 : i32
    %add3A_68 = arith.addi %mul3A_2, %add3A_67 : i32
    %dma_start3A_69 = arith.constant 0 : i32
    %dma_start3A_70 = arith.constant 0 : i32
    %dma_start3A_71 = arith.constant 0 : i32
    %dma_start3A_72 = tpu.memref_slice %arg9[%dma_start3A_69, %dma_start3A_70, %dma_start3A_71] : memref<4x128x128xf32, #tpu.memory_space<vmem>> -> memref<1x128x128xf32, #tpu.memory_space<vmem>>
    %dma_start3A_73 = tpu.memref_squeeze %dma_start3A_72 : memref<1x128x128xf32, #tpu.memory_space<vmem>> -> memref<128x128xf32, #tpu.memory_space<vmem>>
    %dma_start3A_74 = arith.constant 0 : i32
    %dma_start3A_75 = tpu.memref_slice %arg4[%add3A_68, %dma_start3A_74] : memref<16384x128xf32, #tpu.memory_space<hbm>> -> memref<128x128xf32, #tpu.memory_space<hbm>>
    %dma_start3A_76 = arith.constant 0 : i32
    %dma_start3A_77 = tpu.memref_slice %arg4[%add3A_68, %dma_start3A_76] : memref<16384x128xf32, #tpu.memory_space<hbm>> -> memref<128x128xf32, #tpu.memory_space<hbm>>
    %dma_start3A_78 = arith.constant 0 : i32
    %dma_start3A_79 = arith.constant 0 : i32
    %dma_start3A_80 = tpu.memref_slice %arg9[%dma_start3A_69, %dma_start3A_78, %dma_start3A_79] : memref<4x128x128xf32, #tpu.memory_space<vmem>> -> memref<1x128x128xf32, #tpu.memory_space<vmem>>
    %dma_start3A_81 = tpu.memref_squeeze %dma_start3A_80 : memref<1x128x128xf32, #tpu.memory_space<vmem>> -> memref<128x128xf32, #tpu.memory_space<vmem>>
    tpu.enqueue_dma source(%dma_start3A_81 : memref<128x128xf32, #tpu.memory_space<vmem>>) target(%dma_start3A_77 : memref<128x128xf32, #tpu.memory_space<hbm>>) target_semaphore(%arg13 : memref<!tpu.dma_semaphore, #tpu.memory_space<semaphore_mem>>)
    %dma_wait3A_82 = arith.constant 1 : i32
    %dma_wait3A_83 = arith.constant 0 : i32
    %dma_wait3A_84 = arith.constant 0 : i32
    %dma_wait3A_85 = tpu.memref_slice %arg9[%dma_wait3A_82, %dma_wait3A_83, %dma_wait3A_84] : memref<4x128x128xf32, #tpu.memory_space<vmem>> -> memref<1x128x128xf32, #tpu.memory_space<vmem>>
    %dma_wait3A_86 = tpu.memref_squeeze %dma_wait3A_85 : memref<1x128x128xf32, #tpu.memory_space<vmem>> -> memref<128x128xf32, #tpu.memory_space<vmem>>
    %dma_wait3A_87 = arith.constant 0 : i32
    %dma_wait3A_88 = arith.constant 0 : i32
    %dma_wait3A_89 = tpu.memref_slice %arg10[%dma_wait3A_87, %dma_wait3A_88] : memref<3x128xf32, #tpu.memory_space<vmem_shared>> -> memref<3x128xf32, #tpu.memory_space<vmem_shared>>
    tpu.wait_indirect_dma semaphore(%arg12 : memref<!tpu.dma_semaphore, #tpu.memory_space<semaphore_mem>>) src(%dma_wait3A_89 : memref<3x128xf32, #tpu.memory_space<vmem_shared>>) dst(%dma_wait3A_86 : memref<128x128xf32, #tpu.memory_space<vmem>>)
    %add3A_90 = arith.constant 128 : i32
    %add3A_91 = arith.addi %mul3A_2, %add3A_90 : i32
    %dma_start3A_92 = arith.constant 1 : i32
    %dma_start3A_93 = arith.constant 0 : i32
    %dma_start3A_94 = arith.constant 0 : i32
    %dma_start3A_95 = tpu.memref_slice %arg9[%dma_start3A_92, %dma_start3A_93, %dma_start3A_94] : memref<4x128x128xf32, #tpu.memory_space<vmem>> -> memref<1x128x128xf32, #tpu.memory_space<vmem>>
    %dma_start3A_96 = tpu.memref_squeeze %dma_start3A_95 : memref<1x128x128xf32, #tpu.memory_space<vmem>> -> memref<128x128xf32, #tpu.memory_space<vmem>>
    %dma_start3A_97 = arith.constant 0 : i32
    %dma_start3A_98 = tpu.memref_slice %arg4[%add3A_91, %dma_start3A_97] : memref<16384x128xf32, #tpu.memory_space<hbm>> -> memref<128x128xf32, #tpu.memory_space<hbm>>
    %dma_start3A_99 = arith.constant 0 : i32
    %dma_start3A_100 = tpu.memref_slice %arg4[%add3A_91, %dma_start3A_99] : memref<16384x128xf32, #tpu.memory_space<hbm>> -> memref<128x128xf32, #tpu.memory_space<hbm>>
    %dma_start3A_101 = arith.constant 0 : i32
    %dma_start3A_102 = arith.constant 0 : i32
    %dma_start3A_103 = tpu.memref_slice %arg9[%dma_start3A_92, %dma_start3A_101, %dma_start3A_102] : memref<4x128x128xf32, #tpu.memory_space<vmem>> -> memref<1x128x128xf32, #tpu.memory_space<vmem>>
    %dma_start3A_104 = tpu.memref_squeeze %dma_start3A_103 : memref<1x128x128xf32, #tpu.memory_space<vmem>> -> memref<128x128xf32, #tpu.memory_space<vmem>>
    tpu.enqueue_dma source(%dma_start3A_104 : memref<128x128xf32, #tpu.memory_space<vmem>>) target(%dma_start3A_100 : memref<128x128xf32, #tpu.memory_space<hbm>>) target_semaphore(%arg13 : memref<!tpu.dma_semaphore, #tpu.memory_space<semaphore_mem>>)
    %dma_wait3A_105 = arith.constant 2 : i32
    %dma_wait3A_106 = arith.constant 0 : i32
    %dma_wait3A_107 = arith.constant 0 : i32
    %dma_wait3A_108 = tpu.memref_slice %arg9[%dma_wait3A_105, %dma_wait3A_106, %dma_wait3A_107] : memref<4x128x128xf32, #tpu.memory_space<vmem>> -> memref<1x128x128xf32, #tpu.memory_space<vmem>>
    %dma_wait3A_109 = tpu.memref_squeeze %dma_wait3A_108 : memref<1x128x128xf32, #tpu.memory_space<vmem>> -> memref<128x128xf32, #tpu.memory_space<vmem>>
    %dma_wait3A_110 = arith.constant 0 : i32
    %dma_wait3A_111 = arith.constant 0 : i32
    %dma_wait3A_112 = tpu.memref_slice %arg10[%dma_wait3A_110, %dma_wait3A_111] : memref<3x128xf32, #tpu.memory_space<vmem_shared>> -> memref<3x128xf32, #tpu.memory_space<vmem_shared>>
    tpu.wait_indirect_dma semaphore(%arg12 : memref<!tpu.dma_semaphore, #tpu.memory_space<semaphore_mem>>) src(%dma_wait3A_112 : memref<3x128xf32, #tpu.memory_space<vmem_shared>>) dst(%dma_wait3A_109 : memref<128x128xf32, #tpu.memory_space<vmem>>)
    %add3A_113 = arith.constant 256 : i32
    %add3A_114 = arith.addi %mul3A_2, %add3A_113 : i32
    %dma_start3A_115 = arith.constant 2 : i32
    %dma_start3A_116 = arith.constant 0 : i32
    %dma_start3A_117 = arith.constant 0 : i32
    %dma_start3A_118 = tpu.memref_slice %arg9[%dma_start3A_115, %dma_start3A_116, %dma_start3A_117] : memref<4x128x128xf32, #tpu.memory_space<vmem>> -> memref<1x128x128xf32, #tpu.memory_space<vmem>>
    %dma_start3A_119 = tpu.memref_squeeze %dma_start3A_118 : memref<1x128x128xf32, #tpu.memory_space<vmem>> -> memref<128x128xf32, #tpu.memory_space<vmem>>
    %dma_start3A_120 = arith.constant 0 : i32
    %dma_start3A_121 = tpu.memref_slice %arg4[%add3A_114, %dma_start3A_120] : memref<16384x128xf32, #tpu.memory_space<hbm>> -> memref<128x128xf32, #tpu.memory_space<hbm>>
    %dma_start3A_122 = arith.constant 0 : i32
    %dma_start3A_123 = tpu.memref_slice %arg4[%add3A_114, %dma_start3A_122] : memref<16384x128xf32, #tpu.memory_space<hbm>> -> memref<128x128xf32, #tpu.memory_space<hbm>>
    %dma_start3A_124 = arith.constant 0 : i32
    %dma_start3A_125 = arith.constant 0 : i32
    %dma_start3A_126 = tpu.memref_slice %arg9[%dma_start3A_115, %dma_start3A_124, %dma_start3A_125] : memref<4x128x128xf32, #tpu.memory_space<vmem>> -> memref<1x128x128xf32, #tpu.memory_space<vmem>>
    %dma_start3A_127 = tpu.memref_squeeze %dma_start3A_126 : memref<1x128x128xf32, #tpu.memory_space<vmem>> -> memref<128x128xf32, #tpu.memory_space<vmem>>
    tpu.enqueue_dma source(%dma_start3A_127 : memref<128x128xf32, #tpu.memory_space<vmem>>) target(%dma_start3A_123 : memref<128x128xf32, #tpu.memory_space<hbm>>) target_semaphore(%arg13 : memref<!tpu.dma_semaphore, #tpu.memory_space<semaphore_mem>>)
    %dma_wait3A_128 = arith.constant 3 : i32
    %dma_wait3A_129 = arith.constant 0 : i32
    %dma_wait3A_130 = arith.constant 0 : i32
    %dma_wait3A_131 = tpu.memref_slice %arg9[%dma_wait3A_128, %dma_wait3A_129, %dma_wait3A_130] : memref<4x128x128xf32, #tpu.memory_space<vmem>> -> memref<1x128x128xf32, #tpu.memory_space<vmem>>
    %dma_wait3A_132 = tpu.memref_squeeze %dma_wait3A_131 : memref<1x128x128xf32, #tpu.memory_space<vmem>> -> memref<128x128xf32, #tpu.memory_space<vmem>>
    %dma_wait3A_133 = arith.constant 0 : i32
    %dma_wait3A_134 = arith.constant 0 : i32
    %dma_wait3A_135 = tpu.memref_slice %arg10[%dma_wait3A_133, %dma_wait3A_134] : memref<3x128xf32, #tpu.memory_space<vmem_shared>> -> memref<3x128xf32, #tpu.memory_space<vmem_shared>>
    tpu.wait_indirect_dma semaphore(%arg12 : memref<!tpu.dma_semaphore, #tpu.memory_space<semaphore_mem>>) src(%dma_wait3A_135 : memref<3x128xf32, #tpu.memory_space<vmem_shared>>) dst(%dma_wait3A_132 : memref<128x128xf32, #tpu.memory_space<vmem>>)
    %add3A_136 = arith.constant 384 : i32
    %add3A_137 = arith.addi %mul3A_2, %add3A_136 : i32
    %dma_start3A_138 = arith.constant 3 : i32
    %dma_start3A_139 = arith.constant 0 : i32
    %dma_start3A_140 = arith.constant 0 : i32
    %dma_start3A_141 = tpu.memref_slice %arg9[%dma_start3A_138, %dma_start3A_139, %dma_start3A_140] : memref<4x128x128xf32, #tpu.memory_space<vmem>> -> memref<1x128x128xf32, #tpu.memory_space<vmem>>
    %dma_start3A_142 = tpu.memref_squeeze %dma_start3A_141 : memref<1x128x128xf32, #tpu.memory_space<vmem>> -> memref<128x128xf32, #tpu.memory_space<vmem>>
    %dma_start3A_143 = arith.constant 0 : i32
    %dma_start3A_144 = tpu.memref_slice %arg4[%add3A_137, %dma_start3A_143] : memref<16384x128xf32, #tpu.memory_space<hbm>> -> memref<128x128xf32, #tpu.memory_space<hbm>>
    %dma_start3A_145 = arith.constant 0 : i32
    %dma_start3A_146 = tpu.memref_slice %arg4[%add3A_137, %dma_start3A_145] : memref<16384x128xf32, #tpu.memory_space<hbm>> -> memref<128x128xf32, #tpu.memory_space<hbm>>
    %dma_start3A_147 = arith.constant 0 : i32
    %dma_start3A_148 = arith.constant 0 : i32
    %dma_start3A_149 = tpu.memref_slice %arg9[%dma_start3A_138, %dma_start3A_147, %dma_start3A_148] : memref<4x128x128xf32, #tpu.memory_space<vmem>> -> memref<1x128x128xf32, #tpu.memory_space<vmem>>
    %dma_start3A_150 = tpu.memref_squeeze %dma_start3A_149 : memref<1x128x128xf32, #tpu.memory_space<vmem>> -> memref<128x128xf32, #tpu.memory_space<vmem>>
    tpu.enqueue_dma source(%dma_start3A_150 : memref<128x128xf32, #tpu.memory_space<vmem>>) target(%dma_start3A_146 : memref<128x128xf32, #tpu.memory_space<hbm>>) target_semaphore(%arg13 : memref<!tpu.dma_semaphore, #tpu.memory_space<semaphore_mem>>)
    %dma_wait3A_151 = arith.constant 0 : i32
    %dma_wait3A_152 = arith.constant 0 : i32
    %dma_wait3A_153 = arith.constant 0 : i32
    %dma_wait3A_154 = tpu.memref_slice %arg9[%dma_wait3A_151, %dma_wait3A_152, %dma_wait3A_153] : memref<4x128x128xf32, #tpu.memory_space<vmem>> -> memref<1x128x128xf32, #tpu.memory_space<vmem>>
    %dma_wait3A_155 = tpu.memref_squeeze %dma_wait3A_154 : memref<1x128x128xf32, #tpu.memory_space<vmem>> -> memref<128x128xf32, #tpu.memory_space<vmem>>
    %dma_wait3A_156 = arith.constant 0 : i32
    %dma_wait3A_157 = tpu.memref_slice %arg4[%add3A_68, %dma_wait3A_156] : memref<16384x128xf32, #tpu.memory_space<hbm>> -> memref<128x128xf32, #tpu.memory_space<hbm>>
    %dma_wait3A_158 = arith.constant 0 : i32
    %dma_wait3A_159 = tpu.memref_slice %arg4[%add3A_68, %dma_wait3A_158] : memref<16384x128xf32, #tpu.memory_space<hbm>> -> memref<128x128xf32, #tpu.memory_space<hbm>>
    %dma_wait3A_160 = arith.constant 0 : i32
    %dma_wait3A_161 = arith.constant 0 : i32
    %dma_wait3A_162 = tpu.memref_slice %arg9[%dma_wait3A_151, %dma_wait3A_160, %dma_wait3A_161] : memref<4x128x128xf32, #tpu.memory_space<vmem>> -> memref<1x128x128xf32, #tpu.memory_space<vmem>>
    %dma_wait3A_163 = tpu.memref_squeeze %dma_wait3A_162 : memref<1x128x128xf32, #tpu.memory_space<vmem>> -> memref<128x128xf32, #tpu.memory_space<vmem>>
    tpu.wait_dma2 semaphore(%arg13 : memref<!tpu.dma_semaphore, #tpu.memory_space<semaphore_mem>>) src(%dma_wait3A_163 : memref<128x128xf32, #tpu.memory_space<vmem>>) dst(%dma_wait3A_159 : memref<128x128xf32, #tpu.memory_space<hbm>>)
    %dma_wait3A_164 = arith.constant 1 : i32
    %dma_wait3A_165 = arith.constant 0 : i32
    %dma_wait3A_166 = arith.constant 0 : i32
    %dma_wait3A_167 = tpu.memref_slice %arg9[%dma_wait3A_164, %dma_wait3A_165, %dma_wait3A_166] : memref<4x128x128xf32, #tpu.memory_space<vmem>> -> memref<1x128x128xf32, #tpu.memory_space<vmem>>
    %dma_wait3A_168 = tpu.memref_squeeze %dma_wait3A_167 : memref<1x128x128xf32, #tpu.memory_space<vmem>> -> memref<128x128xf32, #tpu.memory_space<vmem>>
    %dma_wait3A_169 = arith.constant 0 : i32
    %dma_wait3A_170 = tpu.memref_slice %arg4[%add3A_91, %dma_wait3A_169] : memref<16384x128xf32, #tpu.memory_space<hbm>> -> memref<128x128xf32, #tpu.memory_space<hbm>>
    %dma_wait3A_171 = arith.constant 0 : i32
    %dma_wait3A_172 = tpu.memref_slice %arg4[%add3A_91, %dma_wait3A_171] : memref<16384x128xf32, #tpu.memory_space<hbm>> -> memref<128x128xf32, #tpu.memory_space<hbm>>
    %dma_wait3A_173 = arith.constant 0 : i32
    %dma_wait3A_174 = arith.constant 0 : i32
    %dma_wait3A_175 = tpu.memref_slice %arg9[%dma_wait3A_164, %dma_wait3A_173, %dma_wait3A_174] : memref<4x128x128xf32, #tpu.memory_space<vmem>> -> memref<1x128x128xf32, #tpu.memory_space<vmem>>
    %dma_wait3A_176 = tpu.memref_squeeze %dma_wait3A_175 : memref<1x128x128xf32, #tpu.memory_space<vmem>> -> memref<128x128xf32, #tpu.memory_space<vmem>>
    tpu.wait_dma2 semaphore(%arg13 : memref<!tpu.dma_semaphore, #tpu.memory_space<semaphore_mem>>) src(%dma_wait3A_176 : memref<128x128xf32, #tpu.memory_space<vmem>>) dst(%dma_wait3A_172 : memref<128x128xf32, #tpu.memory_space<hbm>>)
    %dma_wait3A_177 = arith.constant 2 : i32
    %dma_wait3A_178 = arith.constant 0 : i32
    %dma_wait3A_179 = arith.constant 0 : i32
    %dma_wait3A_180 = tpu.memref_slice %arg9[%dma_wait3A_177, %dma_wait3A_178, %dma_wait3A_179] : memref<4x128x128xf32, #tpu.memory_space<vmem>> -> memref<1x128x128xf32, #tpu.memory_space<vmem>>
    %dma_wait3A_181 = tpu.memref_squeeze %dma_wait3A_180 : memref<1x128x128xf32, #tpu.memory_space<vmem>> -> memref<128x128xf32, #tpu.memory_space<vmem>>
    %dma_wait3A_182 = arith.constant 0 : i32
    %dma_wait3A_183 = tpu.memref_slice %arg4[%add3A_114, %dma_wait3A_182] : memref<16384x128xf32, #tpu.memory_space<hbm>> -> memref<128x128xf32, #tpu.memory_space<hbm>>
    %dma_wait3A_184 = arith.constant 0 : i32
    %dma_wait3A_185 = tpu.memref_slice %arg4[%add3A_114, %dma_wait3A_184] : memref<16384x128xf32, #tpu.memory_space<hbm>> -> memref<128x128xf32, #tpu.memory_space<hbm>>
    %dma_wait3A_186 = arith.constant 0 : i32
    %dma_wait3A_187 = arith.constant 0 : i32
    %dma_wait3A_188 = tpu.memref_slice %arg9[%dma_wait3A_177, %dma_wait3A_186, %dma_wait3A_187] : memref<4x128x128xf32, #tpu.memory_space<vmem>> -> memref<1x128x128xf32, #tpu.memory_space<vmem>>
    %dma_wait3A_189 = tpu.memref_squeeze %dma_wait3A_188 : memref<1x128x128xf32, #tpu.memory_space<vmem>> -> memref<128x128xf32, #tpu.memory_space<vmem>>
    tpu.wait_dma2 semaphore(%arg13 : memref<!tpu.dma_semaphore, #tpu.memory_space<semaphore_mem>>) src(%dma_wait3A_189 : memref<128x128xf32, #tpu.memory_space<vmem>>) dst(%dma_wait3A_185 : memref<128x128xf32, #tpu.memory_space<hbm>>)
    %dma_wait3A_190 = arith.constant 3 : i32
    %dma_wait3A_191 = arith.constant 0 : i32
    %dma_wait3A_192 = arith.constant 0 : i32
    %dma_wait3A_193 = tpu.memref_slice %arg9[%dma_wait3A_190, %dma_wait3A_191, %dma_wait3A_192] : memref<4x128x128xf32, #tpu.memory_space<vmem>> -> memref<1x128x128xf32, #tpu.memory_space<vmem>>
    %dma_wait3A_194 = tpu.memref_squeeze %dma_wait3A_193 : memref<1x128x128xf32, #tpu.memory_space<vmem>> -> memref<128x128xf32, #tpu.memory_space<vmem>>
    %dma_wait3A_195 = arith.constant 0 : i32
    %dma_wait3A_196 = tpu.memref_slice %arg4[%add3A_137, %dma_wait3A_195] : memref<16384x128xf32, #tpu.memory_space<hbm>> -> memref<128x128xf32, #tpu.memory_space<hbm>>
    %dma_wait3A_197 = arith.constant 0 : i32
    %dma_wait3A_198 = tpu.memref_slice %arg4[%add3A_137, %dma_wait3A_197] : memref<16384x128xf32, #tpu.memory_space<hbm>> -> memref<128x128xf32, #tpu.memory_space<hbm>>
    %dma_wait3A_199 = arith.constant 0 : i32
    %dma_wait3A_200 = arith.constant 0 : i32
    %dma_wait3A_201 = tpu.memref_slice %arg9[%dma_wait3A_190, %dma_wait3A_199, %dma_wait3A_200] : memref<4x128x128xf32, #tpu.memory_space<vmem>> -> memref<1x128x128xf32, #tpu.memory_space<vmem>>
    %dma_wait3A_202 = tpu.memref_squeeze %dma_wait3A_201 : memref<1x128x128xf32, #tpu.memory_space<vmem>> -> memref<128x128xf32, #tpu.memory_space<vmem>>
    tpu.wait_dma2 semaphore(%arg13 : memref<!tpu.dma_semaphore, #tpu.memory_space<semaphore_mem>>) src(%dma_wait3A_202 : memref<128x128xf32, #tpu.memory_space<vmem>>) dst(%dma_wait3A_198 : memref<128x128xf32, #tpu.memory_space<hbm>>)
    return
  }
}

</mosaic_0001>

<sc_bundles>
// kernel: kernel.3.cloned.1.call-start
scs
__scs_entry_jumppad:
0x0: {  	(pc) =	sbr.rel $0x88, $3  }
0x1: {  	(tag) =	ssettag $0x0;
	lr =	simm.s32 $0x1  }
0x2: {  	[smem:$0x3F9F] =	sst lr;
	_ =	strace $0xD0000000  }
0x3: {  	_ = 	snop  }
0x4: {  	_ = 	snop  }
0x5: {  	_ = 	snop  }
0x6: {  	_ = 	snop  }
0x7: {  	_ = 	snop  }
__scs_overlays_trampoline_lowered:
0x8: {  	[smem:$0x3FAE] =	sst s0  }
0x9: {  	[smem:$0x3FAF] =	sst s1  }
0xa: {  	[smem:$0x3FB0] =	sst s2  }
0xb: {  	[smem:$0x3FB1] =	sst s3  }
0xc: {  	[smem:$0x3FB2] =	sst s4  }
0xd: {  	[smem:$0x3FB3] =	sst s5  }
0xe: {  	[smem:$0x3FB4] =	sst s6  }
0xf: {  	[smem:$0x3FB5] =	sst s7  }
0x10: {  	[smem:$0x3FB6] =	sst s8  }
0x11: {  	[smem:$0x3FB7] =	sst s9;
	s0 =	simm.s32 @!p0 $0x0  }
0x12: {  	s1 =	sld [smem:$0x3F9D];
	s0 =	simm.s32 @p0 $0x1  }
0x13: {  	[smem:$0x3FB8] =	sst s0;
	s0 =	simm.s32 @!p1 $0x0  }
0x14: {  	s2 =	sld [smem:$0x3F9C];
	s0 =	simm.s32 @p1 $0x1  }
0x15: {  	[smem:$0x3FB9] =	sst s0;
	s0 =	simm.s32 @!p2 $0x0  }
0x16: {  	s3 =	sld [smem:$0x3FDB];
	s0 =	simm.s32 @p2 $0x1  }
0x17: {  	s4 =	simm.s32 $0x1BF5;
	[smem:$0x3FBB] =	sst s0  }
0x18: {  	s0 =	sld [smem:$0x3F9E];
	_ =	swait.ge [sflag:s4], $0x0  }
0x19: {  	s7 =	sld [smem:$0x3F9F]  }
0x1a: {  	s8 =	sadd.s32 $0xFFFFE003, lr  }
0x1b: {  	s9 =	sadd.s32 $0xFFFFFEF7, lr;
	s5 =	simm.s32 $0xFFFFFFFF;
	p2 =	slt.u32 s8, $0xFFFFF086  }
0x1c: {  	p1 =	slt.u32 s9, $0xF7A;
	s5 =	simm.s32 @!p2 $0x0  }
0x1d: {  	s5 =	simm.s32 @p1 $0x1;
	p0 =	seq.s32 s7, s2  }
0x1e: {  	s7 =	smul.u32 @!p0 $0xF7A, s2;
	p2 =	seq.s32 @!p0 s5, $0x0  }
0x1f: {  	s9 =	smul.u32 $0xF7A, s1;
	s8 =	simm.s32 @!p0 $0x1BF5;
	p2 =	por !p2, p0  }
0x20: {  	[sflag:s8] =	ssyncset.s32 @!p0 $0xFFFFF086;
	s6 =	sadd.s32 @!p0 s3, s7;
	s7 =	simm.s32 @!p0 $0x108  }
0x21: {  	s3 =	sadd.s32 s3, s9;
	s6 =	sadd.s32 @!p0 $0x88, s6;
	s7 =	simm.s32 @p2 $0x1082  }
0x22: {  	[simem:s7], [sflag:s8] =	dma.local @!p0 [hbm:s6], $0xF7A  }
0x23: {  	s9 =	sor.u32 $0xD0000000, s2;
	s6 =	simm.s32 $0x108;
	_ =	swait.ge @!p0 [sflag:s8], $0x0  }
0x24: {  	s3 =	sadd.s32 $0x88, s3;
	s6 =	simm.s32 @!p1 $0x1082;
	[sflag:s4] =	ssyncset.s32 $0xFFFFF086  }
0x25: {  	[simem:s6], [sflag:s4] =	dma.local [hbm:s3], $0xF7A  }
0x26: {  	[smem:$0x3F9F] =	sst s1;
	(tag) =	ssettag s2;
	_ =	strace s9  }
0x27: {  	s1 =	sld [smem:$0x3FAF]  }
0x28: {  	s2 =	sld [smem:$0x3FB0]  }
0x29: {  	s4 =	sld [smem:$0x3FB2]  }
0x2a: {  	p0 =	seq.s32 s5, $0x0;
	s5 =	sld [smem:$0x3FB3]  }
0x2b: {  	s6 =	sld [smem:$0x3FB4]  }
0x2c: {  	s7 =	sld [smem:$0x3FB5]  }
0x2d: {  	s3 =	simm.s32 $0x108;
	s8 =	sld [smem:$0x3FB6]  }
0x2e: {  	s3 =	simm.s32 @!p0 $0x1082;
	s9 =	sld [smem:$0x3FB7]  }
0x2f: {  	lr =	sadd.s32 s0, s3;
	s0 =	sld [smem:$0x3FAE]  }
0x30: {  	s3 =	sld [smem:$0x3FB1]  }
0x31: {  	[smem:$0x3FBA] =	sst s10  }
0x32: {  	s10 =	sld [smem:$0x3FB8];
	_ =	sdelay $0x3  }
0x33: {  	p0 =	seq.s32 s10, $0x1;
	s10 =	sld [smem:$0x3FBA];
	_ =	sdelay $0x3  }
0x34: {  	[smem:$0x3FBA] =	sst s10  }
0x35: {  	s10 =	sld [smem:$0x3FB9];
	_ =	sdelay $0x3  }
0x36: {  	p1 =	seq.s32 s10, $0x1;
	s10 =	sld [smem:$0x3FBA];
	_ =	sdelay $0x3  }
0x37: {  	[smem:$0x3FBA] =	sst s10  }
0x38: {  	s10 =	sld [smem:$0x3FBB]  }
0x39: {  	_ = 	snop;
	(pc) =	sbr.ind lr, $3  }
0x3a: {  	_ = 	snop  }
0x3b: {  	_ = 	snop  }
0x3c: {  	p2 =	seq.s32 s10, $0x1;
	s10 =	sld [smem:$0x3FBA]  }
0x3d: {  	_ =	shalt  }
0x3e: {  	_ =	shalt  }
0x3f: {  	_ =	shalt  }
0x40: {  	_ =	shalt  }
0x41: {  	_ =	shalt  }
0x42: {  	_ =	shalt  }
0x43: {  	_ =	shalt  }
0x44: {  	_ =	shalt  }
0x45: {  	_ =	shalt  }
0x46: {  	_ =	shalt  }
0x47: {  	_ =	shalt  }
0x48: {  	_ =	shalt  }
0x49: {  	_ =	shalt  }
0x4a: {  	_ =	shalt  }
0x4b: {  	_ =	shalt  }
0x4c: {  	_ =	shalt  }
0x4d: {  	_ =	shalt  }
0x4e: {  	_ =	shalt  }
0x4f: {  	_ =	shalt  }
0x50: {  	_ =	shalt  }
0x51: {  	_ =	shalt  }
0x52: {  	_ =	shalt  }
0x53: {  	_ =	shalt  }
0x54: {  	_ =	shalt  }
0x55: {  	_ =	shalt  }
0x56: {  	_ =	shalt  }
0x57: {  	_ =	shalt  }
0x58: {  	_ =	shalt  }
0x59: {  	_ =	shalt  }
0x5a: {  	_ =	shalt  }
0x5b: {  	_ =	shalt  }
0x5c: {  	_ =	shalt  }
0x5d: {  	_ =	shalt  }
0x5e: {  	_ =	shalt  }
0x5f: {  	_ =	shalt  }
0x60: {  	_ =	shalt  }
0x61: {  	_ =	shalt  }
0x62: {  	_ =	shalt  }
0x63: {  	_ =	shalt  }
0x64: {  	_ =	shalt  }
0x65: {  	_ =	shalt  }
0x66: {  	_ =	shalt  }
0x67: {  	_ =	shalt  }
0x68: {  	_ =	shalt  }
0x69: {  	_ =	shalt  }
0x6a: {  	_ =	shalt  }
0x6b: {  	_ =	shalt  }
0x6c: {  	_ =	shalt  }
0x6d: {  	_ =	shalt  }
0x6e: {  	_ =	shalt  }
0x6f: {  	_ =	shalt  }
0x70: {  	_ =	shalt  }
0x71: {  	_ =	shalt  }
0x72: {  	_ =	shalt  }
0x73: {  	_ =	shalt  }
0x74: {  	_ =	shalt  }
0x75: {  	_ =	shalt  }
0x76: {  	_ =	shalt  }
0x77: {  	_ =	shalt  }
0x78: {  	_ =	shalt  }
0x79: {  	_ =	shalt  }
0x7a: {  	_ =	shalt  }
0x7b: {  	_ =	shalt  }
0x7c: {  	_ =	shalt  }
0x7d: {  	_ =	shalt  }
0x7e: {  	_ =	shalt  }
0x7f: {  	_ =	shalt  }
0x80: {  	_ =	shalt  }
0x81: {  	_ =	shalt  }
0x82: {  	_ =	shalt  }
0x83: {  	_ =	shalt  }
0x84: {  	_ =	shalt  }
0x85: {  	_ =	shalt  }
0x86: {  	_ =	shalt  }
0x87: {  	_ =	shalt  }
.Lfunc_end0:
.L_simem_size_0:
called_computation_lowered:
.L_overlay_start_0:
0x88: {  	s2 =	sld [smem:$0x3FD9]  }
0x89: {  	s3 =	sld [smem:$0x3FFE];
	_ =	sdelay $0x1  }
0x8a: {  	s1 =	srdreg.scid  }
0x8b: {  	s0 =	sand.u32 $0x1, s1  }
0x8c: {  	s18 =	sshll.u32 s0, $0xA;
	s2 =	sadd.s32 s3, s2  }
0x8d: {  	s2 =	sadd.s32 s2, s18  }
0x8e: {  	[smem:$0x3FC6] =	sst s2  }
0x8f: {  	_ = 	snop  }
0x90: {  	s2 =	sld [smem:$0x3FC9]  }
0x91: {  	s19 =	sld [smem:$0x3FC8]  }
0x92: {  	s4 =	sld [smem:$0x3FD0];
	(tm) =	ssettm $0x1  }
0x93: {  	s5 =	sld [smem:$0x3FFB];
	_ =	sdelay $0x3  }
0x94: {  	_ =	strace s5  }
0x95: {  	s5 =	sld [smem:$0x3FFC];
	_ =	sdelay $0x3  }
0x96: {  	_ =	strace s5  }
0x97: {  	s5 =	sld [smem:$0x3FFD];
	_ =	sdelay $0x3  }
0x98: {  	_ =	strace s5  }
0x99: {  	_ =	strace $0x8FFFFFFF  }
0x9a: {  	s20 =	sld [smem:$0x3FDB];
	_ =	sdelay $0x1  }
0x9b: {  	s6 =	simm.s32 $_scs_section_size  }
0x9c: {  	s7 =	simm.s32 $_size__tile_overlayer_lowered;
	s8 =	simm.s32 $_tile_overlayer_lowered  }
0x9d: {  	s23 =	simm.s32 $0x1BFF;
	s22 =	sshll.u32 s8, $0x1;
	s5 =	sadd.s32 s6, s20  }
0x9e: {  	s9 =	simm.s32 $0x0;
	s21 =	sshll.u32 s7, $0x1;
	s7 =	sadd.s32 s22, s5  }
0x9f: {  	[timem:s9], [sflag:s23] =	dma.local [hbm:s7], s21  }
0xa0: {  	_ =	swait.ge [sflag:s23], s21  }
0xa1: {  	s6 =	ssub.s32 $0x0, s21;
	[sflag:s23] =	ssyncset.done $0x0  }
0xa2: {  	[sflag:s23] =	ssyncadd.s32 s6;
	_ =	sdelay $0x1  }
0xa3: {  	s24 =	simm.s32 $0x1B8B  }
0xa4: {  	_ =	swait.ge [sflag:s24], $0x1  }
0xa5: {  	[sflag:s24] =	ssyncset.done $0x0  }
0xa6: {  	s25 =	simm.s32 $0x1B8E;
	[sflag:s24] =	ssyncadd.s32 $0xFFFFFFFF  }
0xa7: {  	s26 =	simm.s32 $execute0_lowered;
	[smem:$0x3FD2] =	sst s25  }
0xa8: {  	s6 =	sshll.u32 s26, $0x1;
	_ =	strace $0x80000046;
	[dreg:$0x1] =	wrdreg $0xFFFFFFFF  }
0xa9: {  	s28 =	simm.s32 $_size_execute0_lowered;
	s5 =	sadd.s32 s5, s6;
	[dreg:$0x0] =	wrdreg $0x0  }
0xaa: {  	s6 =	sshll.u32 s28, $0x1;
	[dreg:$0x2] =	wrdreg s5  }
0xab: {  	[dreg:$0x3] =	wrdreg s6  }
0xac: {  	[dreg:$0x4] =	wrdreg $0xC0  }
0xad: {  	_ =	task [dreg:s9], $0x5FFFF  }
0xae: {  	[dreg:$0x1] =	wrdreg $0xFFFFFFFF  }
0xaf: {  	[dreg:$0x0] =	wrdreg $0x60  }
0xb0: {  	[dreg:$0x2] =	wrdreg s2  }
0xb1: {  	[dreg:$0x3] =	wrdreg s19  }
0xb2: {  	[dreg:$0x4] =	wrdreg s4  }
0xb3: {  	[dreg:$0x5] =	wrdreg $0x102000  }
0xb4: {  	[dreg:$0x6] =	wrdreg $0x9  }
0xb5: {  	_ =	task.clear_ibuf [dreg:s9], $0x7FFFF;
	_ =	strace $0x90000046  }
0xb6: {  	s29 =	simm.s32 $0x9;
	_ =	strace $0x80000048  }
0xb7: {  	_ =	swait.ge [sflag:s29], $0x1  }
0xb8: {  	[sflag:s29] =	ssyncadd.s32 $0xFFFFFFFF  }
0xb9: {  	_ =	strace $0x90000048  }
0xba: {  	_ =	sfence  }
0xbb: {  	s30 =	sld [smem:$0x0];
	_ =	sdelay $0x2  }
0xbc: {  	s31 =	sshll.u32 s1, $0xD;
	s1 =	sshrl.u32 s1, $0x2  }
0xbd: {  	s3 =	sand.u32 $0x4000, s31;
	s1 =	sadd.s32 s1, s30  }
0xbe: {  	s0 =	sor.u32 s3, s0;
	s1 =	sshll.u32 s1, $0x11  }
0xbf: {  	s0 =	sor.u32 s1, s0  }
0xc0: {  	s0 =	sadd.s32 $0x8F2B, s0  }
0xc1: {  	[sflag:s0] =	ssyncadd.remote.s32 $0x1  }
0xc2: {  	_ =	sfence.sel $0xFFFF  }
0xc3: {  	[dreg:$0x0] =	wrdreg $0xFFFFFFFF;
	(pc) =	sbr.abs _section_cstart, $3  }
0xc4: {  	[dreg:$0x1] =	wrdreg $0xFFFFFFFF  }
0xc5: {  	_ =	task.clear_ibuf [dreg:s9], $0x2FFFF;
	_ =	strace $0x9FFFFFFF  }
0xc6: {  	(tm) =	ssettm $0x7FFFFFFF  }
0xc7: {  	_ =	shalt  }
tec
execute0_lowered:
.L_overlay_start_1:
0x0: {  	(tag) =	ssettag $0x1  }
0x1: {  	s7 =	rddreg [dreg:$0x0]  }
0x2: {  	s0 =	rddreg [dreg:$0x1];
	s1 =	srdreg.scid  }
0x3: {  	s23 =	rddreg [dreg:$0x2];
	s9 =	stileid.u32  }
0x4: {  	s2 =	rddreg [dreg:$0x3];
	s3 =	simm.s32 $0x0;
	s25 =	sand.u32 $0x1, s1  }
0x5: {  	s4 =	sshll.u32 s9, $0xA;
	[smem:$0x7FF] =	sst s3;
	s5 =	sshll.u32 s25, $0x9  }
0x6: {  	s1 =	rddreg [dreg:$0x4];
	_ =	strace $0x80000047;
	s20 =	sor.u32 s5, s4  }
0x7: {  	s4 =	sshrl.u32 s20, $0x3;
	s21 =	sor.u32 $0x80, s20;
	s22 =	sor.u32 $0x100, s20  }
0x8: {  	s24 =	sor.u32 $0x180, s20;
	s4 =	sadd.s32 s7, s4;
	s31 =	sshrl.u32 s21, $0x3  }
0x9: {  	s6 =	sshrl.u32 s22, $0x3;
	s8 =	sshrl.u32 s24, $0x3;
	s5 =	sadd.s32 s7, s31  }
0xa: {  	[tilespmem:s3], [sflag:$0x1] =	stream.linear.gather [hbm4b:s4+s3], $0x80, $0x38;
	[tilespmem:$0x10218] =	vst v63  }
0xb: {  	s6 =	sadd.s32 s7, s6;
	s7 =	sadd.s32 s7, s8;
	s8 =	simm.s32 $0x80  }
0xc: {  	[tilespmem:s8], [sflag:$0x1] =	stream.linear.gather [hbm4b:s5+s3], $0x80, $0x38;
	[tilespmem:$0x10218] =	vst v63  }
0xd: {  	s10 =	simm.s32 $0x180;
	p0 =	sne.s32 s9, $0x0;
	s9 =	simm.s32 $0x100  }
0xe: {  	[tilespmem:s9], [sflag:$0x1] =	stream.linear.gather [hbm4b:s6+s3], $0x80, $0x38;
	[tilespmem:$0x10218] =	vst v63  }
0xf: {  	s11 =	sshrl.u32 @!p0 s2, $0x3;
	s12 =	simm.s32 @!p0 $0x1C04;
	s13 =	simm.s32 @!p0 $0x4  }
0x10: {  	[tilespmem:s10], [sflag:$0x1] =	stream.linear.gather [hbm4b:s7+s3], $0x80, $0x38;
	[tilespmem:$0x10218] =	vst v63  }
0x11: {  	[spmem:s11], [sflag:s12] =	dma.local @!p0 [hbm:s0], $0x30  }
0x12: {  	_ =	swait.ge @!p0 [sflag:s13], $0x30  }
0x13: {  	[sflag:s13] =	ssyncset.done @!p0 $0x0  }
0x14: {  	s14 =	simm.s32 $0x1;
	[sflag:s13] =	ssyncadd.s32 @!p0 $0xFFFFFFD0  }
0x15: {  	_ =	swait.ge [sflag:s14], $0x80  }
0x16: {  	[sflag:s14] =	ssyncset.done $0x0  }
0x17: {  	[sflag:s14] =	ssyncadd.s32 $0xFFFFFF80  }
0x18: {  	_ =	swait.ge [sflag:s14], $0x80  }
0x19: {  	[sflag:s14] =	ssyncset.done $0x0  }
0x1a: {  	[sflag:s14] =	ssyncadd.s32 $0xFFFFFF80  }
0x1b: {  	_ =	swait.ge [sflag:s14], $0x80  }
0x1c: {  	[sflag:s14] =	ssyncset.done $0x0  }
0x1d: {  	[sflag:s14] =	ssyncadd.s32 $0xFFFFFF80  }
0x1e: {  	_ =	swait.ge [sflag:s14], $0x80  }
0x1f: {  	[sflag:s14] =	ssyncset.done $0x0  }
0x20: {  	[sflag:s14] =	ssyncadd.s32 $0xFFFFFF80  }
0x21: {  	s15 =	simm.s32 $0x200;
	[bflag:$0x0] =	sbarrier.arrive $0xFFFF  }
0x22: {  	[tilespmem:s15], [sflag:$0x2] =	stream.indirect.gather [spmem:s2], $0x80, s3, s8, $0xb8;
	[tilespmem:$0x10218] =	vst v63  }
0x23: {  	s16 =	simm.s32 $0x4200  }
0x24: {  	[tilespmem:s16], [sflag:$0x2] =	stream.indirect.gather [spmem:s2], $0x80, s8, s8, $0xb8;
	[tilespmem:$0x10218] =	vst v63  }
0x25: {  	s17 =	simm.s32 $0x8200  }
0x26: {  	[tilespmem:s17], [sflag:$0x2] =	stream.indirect.gather [spmem:s2], $0x80, s9, s8, $0xb8;
	[tilespmem:$0x10218] =	vst v63  }
0x27: {  	s18 =	simm.s32 $0xC200;
	s19 =	simm.s32 $0x2  }
0x28: {  	[tilespmem:s18], [sflag:$0x2] =	stream.indirect.gather [spmem:s2], $0x80, s10, s8, $0xb8;
	[tilespmem:$0x10218] =	vst v63  }
0x29: {  	_ =	swait.ge [sflag:s19], $0x4000  }
0x2a: {  	s20 =	sshll.u32 s20, $0x4;
	[sflag:s19] =	ssyncset.done $0x0  }
0x2b: {  	s20 =	sadd.s32 s23, s20;
	[sflag:s19] =	ssyncadd.s32 $0xFFFFC000  }
0x2c: {  	[hbm4b:s20+s3] =	stream.linear.scatter [tilespmem:s15], [sflag:$0x3], $0x4000, $0x38;
	[tilespmem:$0x10218] =	vst v63  }
0x2d: {  	_ =	swait.ge [sflag:s19], $0x4000  }
0x2e: {  	s21 =	sshll.u32 s21, $0x4;
	[sflag:s19] =	ssyncset.done $0x0  }
0x2f: {  	s21 =	sadd.s32 s23, s21;
	[sflag:s19] =	ssyncadd.s32 $0xFFFFC000  }
0x30: {  	[hbm4b:s21+s3] =	stream.linear.scatter [tilespmem:s16], [sflag:$0x3], $0x4000, $0x38;
	[tilespmem:$0x10218] =	vst v63  }
0x31: {  	_ =	swait.ge [sflag:s19], $0x4000  }
0x32: {  	s22 =	sshll.u32 s22, $0x4;
	[sflag:s19] =	ssyncset.done $0x0  }
0x33: {  	s22 =	sadd.s32 s23, s22;
	[sflag:s19] =	ssyncadd.s32 $0xFFFFC000  }
0x34: {  	[hbm4b:s22+s3] =	stream.linear.scatter [tilespmem:s17], [sflag:$0x3], $0x4000, $0x38;
	[tilespmem:$0x10218] =	vst v63  }
0x35: {  	_ =	swait.ge [sflag:s19], $0x4000  }
0x36: {  	s24 =	sshll.u32 s24, $0x4;
	[sflag:s19] =	ssyncset.done $0x0  }
0x37: {  	s24 =	sadd.s32 s23, s24;
	s23 =	simm.s32 $0x3;
	[sflag:s19] =	ssyncadd.s32 $0xFFFFC000  }
0x38: {  	[hbm4b:s24+s3] =	stream.linear.scatter [tilespmem:s18], [sflag:$0x3], $0x4000, $0x38;
	[tilespmem:$0x10218] =	vst v63  }
0x39: {  	s25 =	ssub.s32 $0x2, s25;
	_ =	swait.ge [sflag:s23], $0x4000  }
0x3a: {  	s26 =	sshrl.u32 s25, $0x1;
	[sflag:s23] =	ssyncset.done $0x0  }
0x3b: {  	s25 =	ssub.s32 s25, s26;
	[sflag:s23] =	ssyncadd.s32 $0xFFFFC000  }
0x3c: {  	s25 =	smax.u32 s25, $0x1;
	_ =	swait.ge [sflag:s23], $0x4000  }
0x3d: {  	s25 =	sadd.s32 $0xFFFFFFFF, s25;
	[sflag:s23] =	ssyncset.done $0x0  }
0x3e: {  	p1 =	sne.s32 s25, $0x0;
	[sflag:s23] =	ssyncadd.s32 $0xFFFFC000  }
.Ltmp0:
0x3f: {  	_ =	swait.ge [sflag:s23], $0x4000;
	(pc) =	sbr.rel @!p1 .LBB2_2-.Ltmp0, $4  }
0x40: {  	[sflag:s23] =	ssyncset.done $0x0  }
0x41: {  	[sflag:s23] =	ssyncadd.s32 $0xFFFFC000  }
0x42: {  	_ =	swait.ge [sflag:s23], $0x4000  }
0x43: {  	[sflag:s23] =	ssyncset.done $0x0  }
.LBB2_1:
0x44: {  	s25 =	sadd.s32 $0xFFFFFFFF, s25;
	[sflag:s23] =	ssyncadd.s32 $0xFFFFC000  }
0x45: {  	[tilespmem:s3], [sflag:$0x1] =	stream.linear.gather [hbm4b:s4+s3], $0x80, $0x38;
	[tilespmem:$0x10218] =	vst v63  }
0x46: {  	p1 =	sne.s32 s25, $0x0  }
0x47: {  	[tilespmem:s8], [sflag:$0x1] =	stream.linear.gather [hbm4b:s5+s3], $0x80, $0x38;
	[tilespmem:$0x10218] =	vst v63  }
0x48: {  	_ = 	snop  }
0x49: {  	[tilespmem:s9], [sflag:$0x1] =	stream.linear.gather [hbm4b:s6+s3], $0x80, $0x38;
	[tilespmem:$0x10218] =	vst v63  }
0x4a: {  	_ = 	snop  }
0x4b: {  	[tilespmem:s10], [sflag:$0x1] =	stream.linear.gather [hbm4b:s7+s3], $0x80, $0x38;
	[tilespmem:$0x10218] =	vst v63  }
0x4c: {  	[spmem:s11], [sflag:s12] =	dma.local @!p0 [hbm:s0], $0x30  }
0x4d: {  	_ =	swait.ge @!p0 [sflag:s13], $0x30  }
0x4e: {  	[sflag:s13] =	ssyncset.done @!p0 $0x0  }
0x4f: {  	[sflag:s13] =	ssyncadd.s32 @!p0 $0xFFFFFFD0  }
0x50: {  	_ =	swait.ge [sflag:s14], $0x80  }
0x51: {  	[sflag:s14] =	ssyncset.done $0x0  }
0x52: {  	[sflag:s14] =	ssyncadd.s32 $0xFFFFFF80  }
0x53: {  	_ =	swait.ge [sflag:s14], $0x80  }
0x54: {  	[sflag:s14] =	ssyncset.done $0x0  }
0x55: {  	[sflag:s14] =	ssyncadd.s32 $0xFFFFFF80  }
0x56: {  	_ =	swait.ge [sflag:s14], $0x80  }
0x57: {  	[sflag:s14] =	ssyncset.done $0x0  }
0x58: {  	[sflag:s14] =	ssyncadd.s32 $0xFFFFFF80  }
0x59: {  	_ =	swait.ge [sflag:s14], $0x80  }
0x5a: {  	[sflag:s14] =	ssyncset.done $0x0  }
0x5b: {  	[sflag:s14] =	ssyncadd.s32 $0xFFFFFF80  }
0x5c: {  	[bflag:$0x0] =	sbarrier.arrive $0xFFFF  }
0x5d: {  	[tilespmem:s15], [sflag:$0x2] =	stream.indirect.gather [spmem:s2], $0x80, s3, s8, $0xb8;
	[tilespmem:$0x10218] =	vst v63  }
0x5e: {  	_ = 	snop  }
0x5f: {  	[tilespmem:s16], [sflag:$0x2] =	stream.indirect.gather [spmem:s2], $0x80, s8, s8, $0xb8;
	[tilespmem:$0x10218] =	vst v63  }
0x60: {  	_ = 	snop  }
0x61: {  	[tilespmem:s17], [sflag:$0x2] =	stream.indirect.gather [spmem:s2], $0x80, s9, s8, $0xb8;
	[tilespmem:$0x10218] =	vst v63  }
0x62: {  	_ = 	snop  }
0x63: {  	[tilespmem:s18], [sflag:$0x2] =	stream.indirect.gather [spmem:s2], $0x80, s10, s8, $0xb8;
	[tilespmem:$0x10218] =	vst v63  }
0x64: {  	_ =	swait.ge [sflag:s19], $0x4000  }
0x65: {  	[sflag:s19] =	ssyncset.done $0x0  }
0x66: {  	[sflag:s19] =	ssyncadd.s32 $0xFFFFC000  }
0x67: {  	[hbm4b:s20+s3] =	stream.linear.scatter [tilespmem:s15], [sflag:$0x3], $0x4000, $0x38;
	[tilespmem:$0x10218] =	vst v63  }
0x68: {  	_ =	swait.ge [sflag:s19], $0x4000  }
0x69: {  	[sflag:s19] =	ssyncset.done $0x0  }
0x6a: {  	[sflag:s19] =	ssyncadd.s32 $0xFFFFC000  }
0x6b: {  	[hbm4b:s21+s3] =	stream.linear.scatter [tilespmem:s16], [sflag:$0x3], $0x4000, $0x38;
	[tilespmem:$0x10218] =	vst v63  }
0x6c: {  	_ =	swait.ge [sflag:s19], $0x4000  }
0x6d: {  	[sflag:s19] =	ssyncset.done $0x0  }
0x6e: {  	[sflag:s19] =	ssyncadd.s32 $0xFFFFC000  }
0x6f: {  	[hbm4b:s22+s3] =	stream.linear.scatter [tilespmem:s17], [sflag:$0x3], $0x4000, $0x38;
	[tilespmem:$0x10218] =	vst v63  }
0x70: {  	_ =	swait.ge [sflag:s19], $0x4000  }
0x71: {  	[sflag:s19] =	ssyncset.done $0x0  }
0x72: {  	[sflag:s19] =	ssyncadd.s32 $0xFFFFC000  }
0x73: {  	[hbm4b:s24+s3] =	stream.linear.scatter [tilespmem:s18], [sflag:$0x3], $0x4000, $0x38;
	[tilespmem:$0x10218] =	vst v63  }
0x74: {  	_ =	swait.ge [sflag:s23], $0x4000  }
0x75: {  	[sflag:s23] =	ssyncset.done $0x0  }
0x76: {  	[sflag:s23] =	ssyncadd.s32 $0xFFFFC000  }
0x77: {  	_ =	swait.ge [sflag:s23], $0x4000  }
0x78: {  	[sflag:s23] =	ssyncset.done $0x0  }
0x79: {  	[sflag:s23] =	ssyncadd.s32 $0xFFFFC000  }
.Ltmp1:
0x7a: {  	_ =	swait.ge [sflag:s23], $0x4000;
	(pc) =	sbr.rel @p1 .LBB2_1-.Ltmp1, $4  }
0x7b: {  	[sflag:s23] =	ssyncset.done $0x0  }
0x7c: {  	[sflag:s23] =	ssyncadd.s32 $0xFFFFC000  }
0x7d: {  	_ =	swait.ge [sflag:s23], $0x4000  }
0x7e: {  	[sflag:s23] =	ssyncset.done $0x0  }
.LBB2_2:
0x7f: {  	[sflag:s23] =	ssyncadd.s32 $0xFFFFC000  }
0x80: {  	_ =	sfence.sel $0x180000  }
0x81: {  	[bflag:$0x0] =	sbarrier.arrive $0xFFFF  }
0x82: {  	_ =	strace $0x90000047  }
0x83: {  	s0 =	sadd.s32 @!p0 $0x100000, s1;
	[bflag:$0x2] =	sbarrier.arrive $0xFFFF  }
0x84: {  	[sflag:s0] =	ssyncadd.tile.s32 @!p0 $0x1;
	_ =	shalt  }
.Lfunc_end2:
_tile_overlayer_lowered:
.L_overlay_start_2:
0x85: {  	(tag) =	ssettag $0x2  }
0x86: {  	s0 =	rddreg [dreg:$0x0];
	s2 =	stileid.u32  }
0x87: {  	s1 =	rddreg [dreg:$0x1];
	p0 =	sne.s32 s2, $0x0  }
0x88: {  	s3 =	rddreg [dreg:$0x2];
	[bflag:$0x3] =	sbarrier.arrive $0xFFFF;
	s2 =	simm.s32 @!p0 $0x1C04  }
0x89: {  	[timem:s3], [sflag:s2] =	dma.local @!p0 [hbm:s0], s1  }
0x8a: {  	s0 =	simm.s32 @!p0 $0x4  }
0x8b: {  	_ =	swait.ge @!p0 [sflag:s0], s1  }
0x8c: {  	s1 =	ssub.s32 @!p0 $0x0, s1;
	[sflag:s0] =	ssyncset.done @!p0 $0x0  }
0x8d: {  	[sflag:s0] =	ssyncadd.s32 @!p0 s1  }
0x8e: {  	[bflag:$0x3] =	sbarrier.arrive $0xFFFF  }
0x8f: {  	_ =	shalt  }

</sc_bundles>
